<compile_context>
chip_gen: v7x
topology: tpu7x:2x2x1
jax: 0.10.2.dev20260603
libtpu: 0.0.44.dev20260713+nightly
codegen_flags: <defaults>
</compile_context>

<pallas_src>
import functools

import jax
import jax.numpy as jnp
from jax import lax
from jax.experimental import pallas as pl
from jax.experimental.pallas import tpu as pltpu
from jax.experimental.pallas import tpu_sc as plsc

B = 16
C_IN = 3
IMG = 224
PATCH = 16
GRID = IMG // PATCH
N_PATCH = GRID * GRID
PATCH_DIM = C_IN * PATCH * PATCH
CODE_DIM = 256
NUM_ING = 8192
NUM_CLASSES = 1000

M = N_PATCH * B

BN = 1024
NJ = NUM_ING // BN


def _codes_body(patches_ref, wenc_ref, cb_ref, codes_ref, z_ref, bestv_ref,
                besti_ref):
    j = pl.program_id(0)

    @pl.when(j == 0)
    def _init():
        p = patches_ref[...].reshape(M, PATCH_DIM)
        z = jnp.dot(p, wenc_ref[...], preferred_element_type=jnp.float32)
        z_ref[...] = z.astype(jnp.bfloat16)
        bestv_ref[...] = jnp.full_like(bestv_ref[...], -jnp.inf)
        besti_ref[...] = jnp.zeros_like(besti_ref[...])

    cb = cb_ref[...]
    cn = jnp.sum(cb * cb, axis=1)
    s = lax.dot_general(z_ref[...], cb.astype(jnp.bfloat16),
                        (((1,), (1,)), ((), ())),
                        preferred_element_type=jnp.float32)
    s = s - 0.5 * cn[None, :]
    lv = jnp.max(s, axis=1)
    idx = lax.broadcasted_iota(jnp.int32, s.shape, 1)
    li = jnp.min(jnp.where(s == lv[:, None], idx, NUM_ING), axis=1)
    li = li + j * BN
    upd = lv > bestv_ref[...]
    bestv_ref[...] = jnp.where(upd, lv, bestv_ref[...])
    besti_ref[...] = jnp.where(upd, li, besti_ref[...])

    @pl.when(j == NJ - 1)
    def _finish():
        codes_ref[...] = besti_ref[...]


def _codes_call(patches3, W_enc, codebook):
    return pl.pallas_call(
        _codes_body,
        grid=(NJ,),
        in_specs=[
            pl.BlockSpec((N_PATCH, B, PATCH_DIM), lambda j: (0, 0, 0)),
            pl.BlockSpec((PATCH_DIM, CODE_DIM), lambda j: (0, 0)),
            pl.BlockSpec((BN, CODE_DIM), lambda j: (j, 0)),
        ],
        out_specs=pl.BlockSpec((M,), lambda j: (0,)),
        out_shape=jax.ShapeDtypeStruct((M,), jnp.int32),
        scratch_shapes=[
            pltpu.VMEM((M, CODE_DIM), jnp.bfloat16),
            pltpu.VMEM((M,), jnp.float32),
            pltpu.VMEM((M,), jnp.int32),
        ],
    )(patches3, W_enc, codebook)


NCHUNK = 7
NBINS = NUM_ING + 16
NTILE = 32


def _bincount_body(codes_hbm, feat_hbm, win_v, idx_v, ones_v, stage_v,
                   bins_sh):
    c = lax.axis_index("c")
    s = lax.axis_index("s")
    t = c * 16 + s
    has7 = t >= 28
    start = jnp.where(has7, 168 + 7 * (t - 28), 6 * t)

    pltpu.sync_copy(codes_hbm.at[pl.ds(start * 16, NCHUNK * 16)], win_v)
    lane = lax.iota(jnp.int32, 16)
    for k in range(NCHUNK):
        sl = pl.ds(k * 16, 16)
        idx_v[sl] = lane * NBINS + NUM_ING
        ones_v[sl] = jnp.full((16,), 1.0, jnp.float32)
        if k < 6:
            idx_v[sl] = lane * NBINS + win_v[sl]
        else:
            @pl.when(has7)
            def _last():
                idx_v[sl] = lane * NBINS + win_v[sl]

    def zloop(i, _):
        stage_v[pl.ds(i * 16, 16)] = jnp.zeros((16,), jnp.float32)
        return 0
    lax.fori_loop(0, NBINS // 16, zloop, 0)
    pltpu.sync_copy(stage_v, bins_sh.at[pl.ds(s * NBINS, NBINS)])

    plsc.subcore_barrier()

    pltpu.sync_copy(ones_v, bins_sh.at[idx_v], add=True)

    plsc.subcore_barrier()

    pltpu.sync_copy(bins_sh.at[pl.ds(s * NBINS, NUM_ING)],
                    stage_v.at[pl.ds(0, NUM_ING)])
    pltpu.sync_copy(stage_v.at[pl.ds(0, NUM_ING)],
                    feat_hbm.at[pl.ds((c * B + s) * NUM_ING, NUM_ING)])


def _bincount_call(codes_flat):
    mesh = plsc.VectorSubcoreMesh(core_axis_name="c", subcore_axis_name="s")
    fn = functools.partial(
        pl.kernel,
        mesh=mesh,
        out_type=jax.ShapeDtypeStruct((2 * B * NUM_ING,), jnp.float32),
        scratch_types=[
            pltpu.VMEM((NCHUNK * 16,), jnp.int32),
            pltpu.VMEM((NCHUNK * 16,), jnp.int32),
            pltpu.VMEM((NCHUNK * 16,), jnp.float32),
            pltpu.VMEM((NBINS,), jnp.float32),
            pltpu.VMEM_SHARED((B * NBINS,), jnp.float32),
        ],
    )(_bincount_body)
    return fn(codes_flat)


BK = 1024
NK = NUM_ING // BK


def _pred_body(f_ref, w_ref, b_ref, out_ref, acc_ref):
    k = pl.program_id(0)

    @pl.when(k == 0)
    def _init():
        acc_ref[...] = jnp.zeros_like(acc_ref[...])

    f = f_ref[0] + f_ref[1]
    acc_ref[...] += lax.dot_general(f, w_ref[...],
                                    (((1,), (1,)), ((), ())),
                                    preferred_element_type=jnp.float32)

    @pl.when(k == NK - 1)
    def _finish():
        out_ref[...] = acc_ref[...] + b_ref[...]


def _pred_call(features, fc_W, fc_b):
    return pl.pallas_call(
        _pred_body,
        grid=(NK,),
        in_specs=[
            pl.BlockSpec((2, B, BK), lambda k: (0, 0, k)),
            pl.BlockSpec((NUM_CLASSES, BK), lambda k: (0, k)),
            pl.BlockSpec((1, NUM_CLASSES), lambda k: (0, 0)),
        ],
        out_specs=pl.BlockSpec((B, NUM_CLASSES), lambda k: (0, 0)),
        out_shape=jax.ShapeDtypeStruct((B, NUM_CLASSES), jnp.float32),
        scratch_shapes=[pltpu.VMEM((B, NUM_CLASSES), jnp.float32)],
    )(features, fc_W, fc_b.reshape(1, NUM_CLASSES))


def kernel(x, W_enc, codebook, fc_W, fc_b):
    xb = x.astype(jnp.bfloat16)
    x6 = xb.reshape(B, C_IN, GRID, PATCH, GRID, PATCH)
    patches3 = x6.transpose(2, 4, 0, 1, 3, 5).reshape(N_PATCH, B, PATCH_DIM)
    codes = _codes_call(patches3, W_enc.astype(jnp.bfloat16), codebook)
    features = _bincount_call(codes).reshape(2, B, NUM_ING)
    pred = _pred_call(features, fc_W, fc_b)
    return (pred, jnp.array(0), jnp.array(0))

# --- scband reference (transcript-rebuilt; emitter-appended) ---
"""Pipeline reference for scband-bo-wpredictor-34110630265324 (READ-ONLY COPY).

The authoritative reference and input builder live on the scoring server;
editing this copy changes nothing except your own understanding.
"""

import jax, jax.numpy as jnp
import numpy as np

B = 16
C_IN = 3
IMG = 224
PATCH = 16
GRID = IMG // PATCH  # 14
N_PATCH = GRID * GRID  # 196
PATCH_DIM = C_IN * PATCH * PATCH  # 768
CODE_DIM = 256
NUM_ING = 8192
NUM_CLASSES = 1000


def setup_inputs(seed: int = 0) -> dict:
    key = jax.random.key(seed)
    k1, k2, k3, k4 = jax.random.split(key, 4)
    x = jax.random.normal(k1, (B, C_IN, IMG, IMG), dtype=jnp.float32)
    # stand-in ingredient model (frozen): patch encoder + VQ codebook
    W_enc = jax.random.normal(k2, (PATCH_DIM, CODE_DIM), dtype=jnp.float32) * 0.02
    codebook = jax.random.normal(k3, (NUM_ING, CODE_DIM), dtype=jnp.float32)
    # BoWPredictor.fc: nn.init.normal_(weight), zeros_(bias)
    fc_W = jax.random.normal(k4, (NUM_CLASSES, NUM_ING), dtype=jnp.float32)
    fc_b = jnp.zeros((NUM_CLASSES,), dtype=jnp.float32)
    return {"x": x, "W_enc": W_enc, "codebook": codebook, "fc_W": fc_W, "fc_b": fc_b}


def _ingredients(x, W_enc, codebook):
    # ingredient_wrapper: encode patches, nearest codebook entry -> integer codes
    bsz = x.shape[0]
    patches = x.reshape(bsz, C_IN, GRID, PATCH, GRID, PATCH)
    patches = patches.transpose(0, 2, 4, 1, 3, 5).reshape(bsz, N_PATCH, PATCH_DIM)
    z = patches @ W_enc  # [B, N_PATCH, CODE_DIM]
    d = (jnp.sum(z * z, axis=-1, keepdims=True)
         - 2.0 * (z @ codebook.T)
         + jnp.sum(codebook * codebook, axis=-1)[None, None, :])
    return jnp.argmin(d, axis=-1)  # int codes [B, N_PATCH]


def reference(x, W_enc, codebook, fc_W, fc_b):
    # torch.no_grad() on the ingredient wrapper -> stop_gradient
    codes = _ingredients(jax.lax.stop_gradient(x),
                         jax.lax.stop_gradient(W_enc),
                         jax.lax.stop_gradient(codebook))
    # per-sample bincount with minlength=num_ingredients
    features = jax.vmap(lambda c: jnp.bincount(c, length=NUM_ING))(codes).astype(jnp.float32)
    pred = features @ fc_W.T + fc_b  # [B, num_classes]
    vertex_weights = jnp.array(0)
    edge_weights = jnp.array(0)
    return (pred, vertex_weights, edge_weights)

if __name__ == "__main__":
    import jax
    _d = setup_inputs()
    print(jax.jit(kernel)(*tuple(_d.values())))

</pallas_src>

<mosaic_0001>
#map = affine_map<(d0, d1) -> (0)>
module attributes {stable_mosaic.version = 14 : i64} {
  func.func @_bincount_body(%arg0: i32, %arg1: i32, %arg2: memref<3136xi32, #tpu.memory_space<hbm>>, %arg3: memref<262144xf32, #tpu.memory_space<hbm>>, %arg4: memref<112xi32, #tpu.memory_space<vmem>>, %arg5: memref<112xi32, #tpu.memory_space<vmem>>, %arg6: memref<112xf32, #tpu.memory_space<vmem>>, %arg7: memref<8208xf32, #tpu.memory_space<vmem>>, %arg8: memref<131328xf32, #tpu.memory_space<vmem_shared>>) attributes {dimension_semantics = [#tpu.dimension_semantics<core_parallel>, #tpu.dimension_semantics<subcore_parallel>], iteration_bounds = array<i64: 2, 16>, scalar_prefetch = 0 : i64, scratch_operands = 5 : i64, tpu.core_type = #tpu.core_type<sc_vector_subcore>, window_params = [{transform_indices = #map}, {transform_indices = #map}]} {
    %mul3A = arith.constant 16 : i32
    %mul3A_0 = arith.muli %arg0, %mul3A : i32
    %add3A = arith.addi %mul3A_0, %arg1 : i32
    %ge3A = arith.constant 28 : i32
    %ge3A_1 = arith.cmpi sge, %add3A, %ge3A : i32
    %sub3A = arith.constant 28 : i32
    %sub3A_2 = arith.subi %add3A, %sub3A : i32
    %mul3A_3 = arith.constant 7 : i32
    %mul3A_4 = arith.muli %mul3A_3, %sub3A_2 : i32
    %add3A_5 = arith.constant 168 : i32
    %add3A_6 = arith.addi %add3A_5, %mul3A_4 : i32
    %mul3A_7 = arith.constant 6 : i32
    %mul3A_8 = arith.muli %mul3A_7, %add3A : i32
    %select_n3A = arith.select %ge3A_1, %add3A_6, %mul3A_8 : i32
    %mul3A_9 = arith.constant 16 : i32
    %mul3A_10 = arith.muli %select_n3A, %mul3A_9 : i32
    "tpu.region"() ({
      %run_scoped3A = tpu.sem_alloc : memref<!tpu.dma_semaphore, #tpu.memory_space<semaphore_mem>>
      %dma_start3A = tpu.memref_slice %arg2[%mul3A_10] : memref<3136xi32, #tpu.memory_space<hbm>> -> memref<112xi32, #tpu.memory_space<hbm>>
      %dma_start3A_203 = tpu.memref_slice %arg2[%mul3A_10] : memref<3136xi32, #tpu.memory_space<hbm>> -> memref<112xi32, #tpu.memory_space<hbm>>
      tpu.enqueue_dma source(%dma_start3A_203 : memref<112xi32, #tpu.memory_space<hbm>>) target(%arg4 : memref<112xi32, #tpu.memory_space<vmem>>) target_semaphore(%run_scoped3A : memref<!tpu.dma_semaphore, #tpu.memory_space<semaphore_mem>>)
      %dma_wait3A = tpu.memref_slice %arg2[%mul3A_10] : memref<3136xi32, #tpu.memory_space<hbm>> -> memref<112xi32, #tpu.memory_space<hbm>>
      %dma_wait3A_204 = tpu.memref_slice %arg2[%mul3A_10] : memref<3136xi32, #tpu.memory_space<hbm>> -> memref<112xi32, #tpu.memory_space<hbm>>
      tpu.wait_dma2 semaphore(%run_scoped3A : memref<!tpu.dma_semaphore, #tpu.memory_space<semaphore_mem>>) src(%dma_wait3A_204 : memref<112xi32, #tpu.memory_space<hbm>>) dst(%arg4 : memref<112xi32, #tpu.memory_space<vmem>>)
      tpu.yield
    }) : () -> ()
    %iota3A = tpu.iota {dimensions = array<i32: 0>} : vector<16xi32>
    %mul3A_11 = arith.constant 8208 : i32
    %mul3A_12 = vector.broadcast %mul3A_11 : i32 to vector<16xi32>
    %mul3A_13 = arith.muli %iota3A, %mul3A_12 : vector<16xi32>
    %add3A_14 = arith.constant 8192 : i32
    %add3A_15 = vector.broadcast %add3A_14 : i32 to vector<16xi32>
    %add3A_16 = arith.addi %mul3A_13, %add3A_15 : vector<16xi32>
    %swap3A = arith.constant 0 : index
    %swap3A_17 = tpu.vector_load %arg5[%swap3A] {strides = array<i32>} : memref<112xi32, #tpu.memory_space<vmem>>, vector<16xi32>,
    %swap3A_18 = vector.shape_cast %swap3A_17 : vector<16xi32> to vector<16xi32>
    %swap3A_19 = vector.shape_cast %add3A_16 : vector<16xi32> to vector<16xi32>
    tpu.vector_store %arg5[%swap3A], %swap3A_19 {strides = array<i32>} : memref<112xi32, #tpu.memory_space<vmem>>, vector<16xi32>,
    %broadcast_in_dim3A = arith.constant 1.000000e+00 : f32
    %broadcast_in_dim3A_20 = vector.broadcast %broadcast_in_dim3A : f32 to vector<16xf32>
    %swap3A_21 = arith.constant 0 : index
    %swap3A_22 = tpu.vector_load %arg6[%swap3A_21] {strides = array<i32>} : memref<112xf32, #tpu.memory_space<vmem>>, vector<16xf32>,
    %swap3A_23 = vector.shape_cast %swap3A_22 : vector<16xf32> to vector<16xf32>
    %swap3A_24 = vector.shape_cast %broadcast_in_dim3A_20 : vector<16xf32> to vector<16xf32>
    tpu.vector_store %arg6[%swap3A_21], %swap3A_24 {strides = array<i32>} : memref<112xf32, #tpu.memory_space<vmem>>, vector<16xf32>,
    %mul3A_25 = arith.constant 8208 : i32
    %mul3A_26 = vector.broadcast %mul3A_25 : i32 to vector<16xi32>
    %mul3A_27 = arith.muli %iota3A, %mul3A_26 : vector<16xi32>
    %get3A = arith.constant 0 : index
    %get3A_28 = tpu.vector_load %arg4[%get3A] {strides = array<i32>} : memref<112xi32, #tpu.memory_space<vmem>>, vector<16xi32>,
    %get3A_29 = vector.shape_cast %get3A_28 : vector<16xi32> to vector<16xi32>
    %add3A_30 = arith.addi %mul3A_27, %get3A_29 : vector<16xi32>
    %swap3A_31 = arith.constant 0 : index
    %swap3A_32 = tpu.vector_load %arg5[%swap3A_31] {strides = array<i32>} : memref<112xi32, #tpu.memory_space<vmem>>, vector<16xi32>,
    %swap3A_33 = vector.shape_cast %swap3A_32 : vector<16xi32> to vector<16xi32>
    %swap3A_34 = vector.shape_cast %add3A_30 : vector<16xi32> to vector<16xi32>
    tpu.vector_store %arg5[%swap3A_31], %swap3A_34 {strides = array<i32>} : memref<112xi32, #tpu.memory_space<vmem>>, vector<16xi32>,
    %mul3A_35 = arith.constant 8208 : i32
    %mul3A_36 = vector.broadcast %mul3A_35 : i32 to vector<16xi32>
    %mul3A_37 = arith.muli %iota3A, %mul3A_36 : vector<16xi32>
    %add3A_38 = arith.constant 8192 : i32
    %add3A_39 = vector.broadcast %add3A_38 : i32 to vector<16xi32>
    %add3A_40 = arith.addi %mul3A_37, %add3A_39 : vector<16xi32>
    %swap3A_41 = arith.constant 16 : index
    %swap3A_42 = tpu.vector_load %arg5[%swap3A_41] {strides = array<i32>} : memref<112xi32, #tpu.memory_space<vmem>>, vector<16xi32>,
    %swap3A_43 = vector.shape_cast %swap3A_42 : vector<16xi32> to vector<16xi32>
    %swap3A_44 = vector.shape_cast %add3A_40 : vector<16xi32> to vector<16xi32>
    tpu.vector_store %arg5[%swap3A_41], %swap3A_44 {strides = array<i32>} : memref<112xi32, #tpu.memory_space<vmem>>, vector<16xi32>,
    %broadcast_in_dim3A_45 = arith.constant 1.000000e+00 : f32
    %broadcast_in_dim3A_46 = vector.broadcast %broadcast_in_dim3A_45 : f32 to vector<16xf32>
    %swap3A_47 = arith.constant 16 : index
    %swap3A_48 = tpu.vector_load %arg6[%swap3A_47] {strides = array<i32>} : memref<112xf32, #tpu.memory_space<vmem>>, vector<16xf32>,
    %swap3A_49 = vector.shape_cast %swap3A_48 : vector<16xf32> to vector<16xf32>
    %swap3A_50 = vector.shape_cast %broadcast_in_dim3A_46 : vector<16xf32> to vector<16xf32>
    tpu.vector_store %arg6[%swap3A_47], %swap3A_50 {strides = array<i32>} : memref<112xf32, #tpu.memory_space<vmem>>, vector<16xf32>,
    %mul3A_51 = arith.constant 8208 : i32
    %mul3A_52 = vector.broadcast %mul3A_51 : i32 to vector<16xi32>
    %mul3A_53 = arith.muli %iota3A, %mul3A_52 : vector<16xi32>
    %get3A_54 = arith.constant 16 : index
    %get3A_55 = tpu.vector_load %arg4[%get3A_54] {strides = array<i32>} : memref<112xi32, #tpu.memory_space<vmem>>, vector<16xi32>,
    %get3A_56 = vector.shape_cast %get3A_55 : vector<16xi32> to vector<16xi32>
    %add3A_57 = arith.addi %mul3A_53, %get3A_56 : vector<16xi32>
    %swap3A_58 = arith.constant 16 : index
    %swap3A_59 = tpu.vector_load %arg5[%swap3A_58] {strides = array<i32>} : memref<112xi32, #tpu.memory_space<vmem>>, vector<16xi32>,
    %swap3A_60 = vector.shape_cast %swap3A_59 : vector<16xi32> to vector<16xi32>
    %swap3A_61 = vector.shape_cast %add3A_57 : vector<16xi32> to vector<16xi32>
    tpu.vector_store %arg5[%swap3A_58], %swap3A_61 {strides = array<i32>} : memref<112xi32, #tpu.memory_space<vmem>>, vector<16xi32>,
    %mul3A_62 = arith.constant 8208 : i32
    %mul3A_63 = vector.broadcast %mul3A_62 : i32 to vector<16xi32>
    %mul3A_64 = arith.muli %iota3A, %mul3A_63 : vector<16xi32>
    %add3A_65 = arith.constant 8192 : i32
    %add3A_66 = vector.broadcast %add3A_65 : i32 to vector<16xi32>
    %add3A_67 = arith.addi %mul3A_64, %add3A_66 : vector<16xi32>
    %swap3A_68 = arith.constant 32 : index
    %swap3A_69 = tpu.vector_load %arg5[%swap3A_68] {strides = array<i32>} : memref<112xi32, #tpu.memory_space<vmem>>, vector<16xi32>,
    %swap3A_70 = vector.shape_cast %swap3A_69 : vector<16xi32> to vector<16xi32>
    %swap3A_71 = vector.shape_cast %add3A_67 : vector<16xi32> to vector<16xi32>
    tpu.vector_store %arg5[%swap3A_68], %swap3A_71 {strides = array<i32>} : memref<112xi32, #tpu.memory_space<vmem>>, vector<16xi32>,
    %broadcast_in_dim3A_72 = arith.constant 1.000000e+00 : f32
    %broadcast_in_dim3A_73 = vector.broadcast %broadcast_in_dim3A_72 : f32 to vector<16xf32>
    %swap3A_74 = arith.constant 32 : index
    %swap3A_75 = tpu.vector_load %arg6[%swap3A_74] {strides = array<i32>} : memref<112xf32, #tpu.memory_space<vmem>>, vector<16xf32>,
    %swap3A_76 = vector.shape_cast %swap3A_75 : vector<16xf32> to vector<16xf32>
    %swap3A_77 = vector.shape_cast %broadcast_in_dim3A_73 : vector<16xf32> to vector<16xf32>
    tpu.vector_store %arg6[%swap3A_74], %swap3A_77 {strides = array<i32>} : memref<112xf32, #tpu.memory_space<vmem>>, vector<16xf32>,
    %mul3A_78 = arith.constant 8208 : i32
    %mul3A_79 = vector.broadcast %mul3A_78 : i32 to vector<16xi32>
    %mul3A_80 = arith.muli %iota3A, %mul3A_79 : vector<16xi32>
    %get3A_81 = arith.constant 32 : index
    %get3A_82 = tpu.vector_load %arg4[%get3A_81] {strides = array<i32>} : memref<112xi32, #tpu.memory_space<vmem>>, vector<16xi32>,
    %get3A_83 = vector.shape_cast %get3A_82 : vector<16xi32> to vector<16xi32>
    %add3A_84 = arith.addi %mul3A_80, %get3A_83 : vector<16xi32>
    %swap3A_85 = arith.constant 32 : index
    %swap3A_86 = tpu.vector_load %arg5[%swap3A_85] {strides = array<i32>} : memref<112xi32, #tpu.memory_space<vmem>>, vector<16xi32>,
    %swap3A_87 = vector.shape_cast %swap3A_86 : vector<16xi32> to vector<16xi32>
    %swap3A_88 = vector.shape_cast %add3A_84 : vector<16xi32> to vector<16xi32>
    tpu.vector_store %arg5[%swap3A_85], %swap3A_88 {strides = array<i32>} : memref<112xi32, #tpu.memory_space<vmem>>, vector<16xi32>,
    %mul3A_89 = arith.constant 8208 : i32
    %mul3A_90 = vector.broadcast %mul3A_89 : i32 to vector<16xi32>
    %mul3A_91 = arith.muli %iota3A, %mul3A_90 : vector<16xi32>
    %add3A_92 = arith.constant 8192 : i32
    %add3A_93 = vector.broadcast %add3A_92 : i32 to vector<16xi32>
    %add3A_94 = arith.addi %mul3A_91, %add3A_93 : vector<16xi32>
    %swap3A_95 = arith.constant 48 : index
    %swap3A_96 = tpu.vector_load %arg5[%swap3A_95] {strides = array<i32>} : memref<112xi32, #tpu.memory_space<vmem>>, vector<16xi32>,
    %swap3A_97 = vector.shape_cast %swap3A_96 : vector<16xi32> to vector<16xi32>
    %swap3A_98 = vector.shape_cast %add3A_94 : vector<16xi32> to vector<16xi32>
    tpu.vector_store %arg5[%swap3A_95], %swap3A_98 {strides = array<i32>} : memref<112xi32, #tpu.memory_space<vmem>>, vector<16xi32>,
    %broadcast_in_dim3A_99 = arith.constant 1.000000e+00 : f32
    %broadcast_in_dim3A_100 = vector.broadcast %broadcast_in_dim3A_99 : f32 to vector<16xf32>
    %swap3A_101 = arith.constant 48 : index
    %swap3A_102 = tpu.vector_load %arg6[%swap3A_101] {strides = array<i32>} : memref<112xf32, #tpu.memory_space<vmem>>, vector<16xf32>,
    %swap3A_103 = vector.shape_cast %swap3A_102 : vector<16xf32> to vector<16xf32>
    %swap3A_104 = vector.shape_cast %broadcast_in_dim3A_100 : vector<16xf32> to vector<16xf32>
    tpu.vector_store %arg6[%swap3A_101], %swap3A_104 {strides = array<i32>} : memref<112xf32, #tpu.memory_space<vmem>>, vector<16xf32>,
    %mul3A_105 = arith.constant 8208 : i32
    %mul3A_106 = vector.broadcast %mul3A_105 : i32 to vector<16xi32>
    %mul3A_107 = arith.muli %iota3A, %mul3A_106 : vector<16xi32>
    %get3A_108 = arith.constant 48 : index
    %get3A_109 = tpu.vector_load %arg4[%get3A_108] {strides = array<i32>} : memref<112xi32, #tpu.memory_space<vmem>>, vector<16xi32>,
    %get3A_110 = vector.shape_cast %get3A_109 : vector<16xi32> to vector<16xi32>
    %add3A_111 = arith.addi %mul3A_107, %get3A_110 : vector<16xi32>
    %swap3A_112 = arith.constant 48 : index
    %swap3A_113 = tpu.vector_load %arg5[%swap3A_112] {strides = array<i32>} : memref<112xi32, #tpu.memory_space<vmem>>, vector<16xi32>,
    %swap3A_114 = vector.shape_cast %swap3A_113 : vector<16xi32> to vector<16xi32>
    %swap3A_115 = vector.shape_cast %add3A_111 : vector<16xi32> to vector<16xi32>
    tpu.vector_store %arg5[%swap3A_112], %swap3A_115 {strides = array<i32>} : memref<112xi32, #tpu.memory_space<vmem>>, vector<16xi32>,
    %mul3A_116 = arith.constant 8208 : i32
    %mul3A_117 = vector.broadcast %mul3A_116 : i32 to vector<16xi32>
    %mul3A_118 = arith.muli %iota3A, %mul3A_117 : vector<16xi32>
    %add3A_119 = arith.constant 8192 : i32
    %add3A_120 = vector.broadcast %add3A_119 : i32 to vector<16xi32>
    %add3A_121 = arith.addi %mul3A_118, %add3A_120 : vector<16xi32>
    %swap3A_122 = arith.constant 64 : index
    %swap3A_123 = tpu.vector_load %arg5[%swap3A_122] {strides = array<i32>} : memref<112xi32, #tpu.memory_space<vmem>>, vector<16xi32>,
    %swap3A_124 = vector.shape_cast %swap3A_123 : vector<16xi32> to vector<16xi32>
    %swap3A_125 = vector.shape_cast %add3A_121 : vector<16xi32> to vector<16xi32>
    tpu.vector_store %arg5[%swap3A_122], %swap3A_125 {strides = array<i32>} : memref<112xi32, #tpu.memory_space<vmem>>, vector<16xi32>,
    %broadcast_in_dim3A_126 = arith.constant 1.000000e+00 : f32
    %broadcast_in_dim3A_127 = vector.broadcast %broadcast_in_dim3A_126 : f32 to vector<16xf32>
    %swap3A_128 = arith.constant 64 : index
    %swap3A_129 = tpu.vector_load %arg6[%swap3A_128] {strides = array<i32>} : memref<112xf32, #tpu.memory_space<vmem>>, vector<16xf32>,
    %swap3A_130 = vector.shape_cast %swap3A_129 : vector<16xf32> to vector<16xf32>
    %swap3A_131 = vector.shape_cast %broadcast_in_dim3A_127 : vector<16xf32> to vector<16xf32>
    tpu.vector_store %arg6[%swap3A_128], %swap3A_131 {strides = array<i32>} : memref<112xf32, #tpu.memory_space<vmem>>, vector<16xf32>,
    %mul3A_132 = arith.constant 8208 : i32
    %mul3A_133 = vector.broadcast %mul3A_132 : i32 to vector<16xi32>
    %mul3A_134 = arith.muli %iota3A, %mul3A_133 : vector<16xi32>
    %get3A_135 = arith.constant 64 : index
    %get3A_136 = tpu.vector_load %arg4[%get3A_135] {strides = array<i32>} : memref<112xi32, #tpu.memory_space<vmem>>, vector<16xi32>,
    %get3A_137 = vector.shape_cast %get3A_136 : vector<16xi32> to vector<16xi32>
    %add3A_138 = arith.addi %mul3A_134, %get3A_137 : vector<16xi32>
    %swap3A_139 = arith.constant 64 : index
    %swap3A_140 = tpu.vector_load %arg5[%swap3A_139] {strides = array<i32>} : memref<112xi32, #tpu.memory_space<vmem>>, vector<16xi32>,
    %swap3A_141 = vector.shape_cast %swap3A_140 : vector<16xi32> to vector<16xi32>
    %swap3A_142 = vector.shape_cast %add3A_138 : vector<16xi32> to vector<16xi32>
    tpu.vector_store %arg5[%swap3A_139], %swap3A_142 {strides = array<i32>} : memref<112xi32, #tpu.memory_space<vmem>>, vector<16xi32>,
    %mul3A_143 = arith.constant 8208 : i32
    %mul3A_144 = vector.broadcast %mul3A_143 : i32 to vector<16xi32>
    %mul3A_145 = arith.muli %iota3A, %mul3A_144 : vector<16xi32>
    %add3A_146 = arith.constant 8192 : i32
    %add3A_147 = vector.broadcast %add3A_146 : i32 to vector<16xi32>
    %add3A_148 = arith.addi %mul3A_145, %add3A_147 : vector<16xi32>
    %swap3A_149 = arith.constant 80 : index
    %swap3A_150 = tpu.vector_load %arg5[%swap3A_149] {strides = array<i32>} : memref<112xi32, #tpu.memory_space<vmem>>, vector<16xi32>,
    %swap3A_151 = vector.shape_cast %swap3A_150 : vector<16xi32> to vector<16xi32>
    %swap3A_152 = vector.shape_cast %add3A_148 : vector<16xi32> to vector<16xi32>
    tpu.vector_store %arg5[%swap3A_149], %swap3A_152 {strides = array<i32>} : memref<112xi32, #tpu.memory_space<vmem>>, vector<16xi32>,
    %broadcast_in_dim3A_153 = arith.constant 1.000000e+00 : f32
    %broadcast_in_dim3A_154 = vector.broadcast %broadcast_in_dim3A_153 : f32 to vector<16xf32>
    %swap3A_155 = arith.constant 80 : index
    %swap3A_156 = tpu.vector_load %arg6[%swap3A_155] {strides = array<i32>} : memref<112xf32, #tpu.memory_space<vmem>>, vector<16xf32>,
    %swap3A_157 = vector.shape_cast %swap3A_156 : vector<16xf32> to vector<16xf32>
    %swap3A_158 = vector.shape_cast %broadcast_in_dim3A_154 : vector<16xf32> to vector<16xf32>
    tpu.vector_store %arg6[%swap3A_155], %swap3A_158 {strides = array<i32>} : memref<112xf32, #tpu.memory_space<vmem>>, vector<16xf32>,
    %mul3A_159 = arith.constant 8208 : i32
    %mul3A_160 = vector.broadcast %mul3A_159 : i32 to vector<16xi32>
    %mul3A_161 = arith.muli %iota3A, %mul3A_160 : vector<16xi32>
    %get3A_162 = arith.constant 80 : index
    %get3A_163 = tpu.vector_load %arg4[%get3A_162] {strides = array<i32>} : memref<112xi32, #tpu.memory_space<vmem>>, vector<16xi32>,
    %get3A_164 = vector.shape_cast %get3A_163 : vector<16xi32> to vector<16xi32>
    %add3A_165 = arith.addi %mul3A_161, %get3A_164 : vector<16xi32>
    %swap3A_166 = arith.constant 80 : index
    %swap3A_167 = tpu.vector_load %arg5[%swap3A_166] {strides = array<i32>} : memref<112xi32, #tpu.memory_space<vmem>>, vector<16xi32>,
    %swap3A_168 = vector.shape_cast %swap3A_167 : vector<16xi32> to vector<16xi32>
    %swap3A_169 = vector.shape_cast %add3A_165 : vector<16xi32> to vector<16xi32>
    tpu.vector_store %arg5[%swap3A_166], %swap3A_169 {strides = array<i32>} : memref<112xi32, #tpu.memory_space<vmem>>, vector<16xi32>,
    %mul3A_170 = arith.constant 8208 : i32
    %mul3A_171 = vector.broadcast %mul3A_170 : i32 to vector<16xi32>
    %mul3A_172 = arith.muli %iota3A, %mul3A_171 : vector<16xi32>
    %add3A_173 = arith.constant 8192 : i32
    %add3A_174 = vector.broadcast %add3A_173 : i32 to vector<16xi32>
    %add3A_175 = arith.addi %mul3A_172, %add3A_174 : vector<16xi32>
    %swap3A_176 = arith.constant 96 : index
    %swap3A_177 = tpu.vector_load %arg5[%swap3A_176] {strides = array<i32>} : memref<112xi32, #tpu.memory_space<vmem>>, vector<16xi32>,
    %swap3A_178 = vector.shape_cast %swap3A_177 : vector<16xi32> to vector<16xi32>
    %swap3A_179 = vector.shape_cast %add3A_175 : vector<16xi32> to vector<16xi32>
    tpu.vector_store %arg5[%swap3A_176], %swap3A_179 {strides = array<i32>} : memref<112xi32, #tpu.memory_space<vmem>>, vector<16xi32>,
    %broadcast_in_dim3A_180 = arith.constant 1.000000e+00 : f32
    %broadcast_in_dim3A_181 = vector.broadcast %broadcast_in_dim3A_180 : f32 to vector<16xf32>
    %swap3A_182 = arith.constant 96 : index
    %swap3A_183 = tpu.vector_load %arg6[%swap3A_182] {strides = array<i32>} : memref<112xf32, #tpu.memory_space<vmem>>, vector<16xf32>,
    %swap3A_184 = vector.shape_cast %swap3A_183 : vector<16xf32> to vector<16xf32>
    %swap3A_185 = vector.shape_cast %broadcast_in_dim3A_181 : vector<16xf32> to vector<16xf32>
    tpu.vector_store %arg6[%swap3A_182], %swap3A_185 {strides = array<i32>} : memref<112xf32, #tpu.memory_space<vmem>>, vector<16xf32>,
    %convert_element_type3A = arith.extui %ge3A_1 : i1 to i32
    %cond3A = arith.constant 0 : i32
    %cond3A_186 = arith.cmpi ne, %convert_element_type3A, %cond3A : i32
    scf.if %cond3A_186 {
      %mul3A_203 = arith.constant 8208 : i32
      %mul3A_204 = vector.broadcast %mul3A_203 : i32 to vector<16xi32>
      %mul3A_205 = arith.muli %iota3A, %mul3A_204 : vector<16xi32>
      %get3A_206 = arith.constant 96 : index
      %get3A_207 = tpu.vector_load %arg4[%get3A_206] {strides = array<i32>} : memref<112xi32, #tpu.memory_space<vmem>>, vector<16xi32>,
      %get3A_208 = vector.shape_cast %get3A_207 : vector<16xi32> to vector<16xi32>
      %add3A_209 = arith.addi %mul3A_205, %get3A_208 : vector<16xi32>
      %swap3A_210 = arith.constant 96 : index
      %swap3A_211 = tpu.vector_load %arg5[%swap3A_210] {strides = array<i32>} : memref<112xi32, #tpu.memory_space<vmem>>, vector<16xi32>,
      %swap3A_212 = vector.shape_cast %swap3A_211 : vector<16xi32> to vector<16xi32>
      %swap3A_213 = vector.shape_cast %add3A_209 : vector<16xi32> to vector<16xi32>
      tpu.vector_store %arg5[%swap3A_210], %swap3A_213 {strides = array<i32>} : memref<112xi32, #tpu.memory_space<vmem>>, vector<16xi32>,
    } else {
    }
    %scan3A = arith.constant 0 : i32
    %scan3A_187 = arith.constant 0 : i32
    %scan3A_188 = arith.constant 513 : i32
    %scan3A_189 = arith.addi %scan3A_187, %scan3A_188 : i32
    %scan3A_190 = arith.constant 1 : i32
    %scan3A_191 = scf.for %scan3A_203 = %scan3A_187 to %scan3A_189 step %scan3A_190 iter_args(%scan3A_204 = %scan3A) -> (i32)  : i32 {
      %broadcast_in_dim3A_205 = arith.constant 0.000000e+00 : f32
      %broadcast_in_dim3A_206 = vector.broadcast %broadcast_in_dim3A_205 : f32 to vector<16xf32>
      %mul3A_207 = arith.constant 16 : i32
      %mul3A_208 = arith.muli %scan3A_203, %mul3A_207 : i32
      %swap3A_209 = arith.index_cast %mul3A_208 : i32 to index
      %swap3A_210 = tpu.vector_load %arg7[%swap3A_209] {strides = array<i32>} : memref<8208xf32, #tpu.memory_space<vmem>>, vector<16xf32>,
      %swap3A_211 = vector.shape_cast %swap3A_210 : vector<16xf32> to vector<16xf32>
      %swap3A_212 = vector.shape_cast %broadcast_in_dim3A_206 : vector<16xf32> to vector<16xf32>
      tpu.vector_store %arg7[%swap3A_209], %swap3A_212 {strides = array<i32>} : memref<8208xf32, #tpu.memory_space<vmem>>, vector<16xf32>,
      %scan3A_213 = arith.constant 0 : i32
      scf.yield %scan3A_213 : i32
    }
    %scan3A_192 = arith.constant 513 : i32
    %mul3A_193 = arith.constant 8208 : i32
    %mul3A_194 = arith.muli %arg1, %mul3A_193 : i32
    "tpu.region"() ({
      %run_scoped3A = tpu.sem_alloc : memref<!tpu.dma_semaphore, #tpu.memory_space<semaphore_mem>>
      %dma_start3A = tpu.memref_slice %arg8[%mul3A_194] : memref<131328xf32, #tpu.memory_space<vmem_shared>> -> memref<8208xf32, #tpu.memory_space<vmem_shared>>
      %dma_start3A_203 = tpu.memref_slice %arg8[%mul3A_194] : memref<131328xf32, #tpu.memory_space<vmem_shared>> -> memref<8208xf32, #tpu.memory_space<vmem_shared>>
      tpu.enqueue_dma source(%arg7 : memref<8208xf32, #tpu.memory_space<vmem>>) target(%dma_start3A_203 : memref<8208xf32, #tpu.memory_space<vmem_shared>>) target_semaphore(%run_scoped3A : memref<!tpu.dma_semaphore, #tpu.memory_space<semaphore_mem>>)
      %dma_wait3A = tpu.memref_slice %arg8[%mul3A_194] : memref<131328xf32, #tpu.memory_space<vmem_shared>> -> memref<8208xf32, #tpu.memory_space<vmem_shared>>
      %dma_wait3A_204 = tpu.memref_slice %arg8[%mul3A_194] : memref<131328xf32, #tpu.memory_space<vmem_shared>> -> memref<8208xf32, #tpu.memory_space<vmem_shared>>
      tpu.wait_dma2 semaphore(%run_scoped3A : memref<!tpu.dma_semaphore, #tpu.memory_space<semaphore_mem>>) src(%arg7 : memref<8208xf32, #tpu.memory_space<vmem>>) dst(%dma_wait3A_204 : memref<8208xf32, #tpu.memory_space<vmem_shared>>)
      tpu.yield
    }) : () -> ()
    %barrier3A = arith.constant 0 : index
    tpu.barrier barrier_id(%barrier3A)
    "tpu.region"() ({
      %run_scoped3A = tpu.sem_alloc : memref<!tpu.dma_semaphore, #tpu.memory_space<semaphore_mem>>
      %dma_start3A = arith.constant 0 : i32
      %dma_start3A_203 = tpu.memref_slice %arg8[%dma_start3A] : memref<131328xf32, #tpu.memory_space<vmem_shared>> -> memref<131328xf32, #tpu.memory_space<vmem_shared>>
      tpu.enqueue_indirect_dma source(%arg6 : memref<112xf32, #tpu.memory_space<vmem>>) target(%dma_start3A_203 : memref<131328xf32, #tpu.memory_space<vmem_shared>>) offsets(%arg5 : memref<112xi32, #tpu.memory_space<vmem>>) semaphore(%run_scoped3A : memref<!tpu.dma_semaphore, #tpu.memory_space<semaphore_mem>>) {add = true}
      %dma_wait3A = arith.constant 0 : i32
      %dma_wait3A_204 = tpu.memref_slice %arg8[%dma_wait3A] : memref<131328xf32, #tpu.memory_space<vmem_shared>> -> memref<131328xf32, #tpu.memory_space<vmem_shared>>
      tpu.wait_indirect_dma semaphore(%run_scoped3A : memref<!tpu.dma_semaphore, #tpu.memory_space<semaphore_mem>>) src(%arg6 : memref<112xf32, #tpu.memory_space<vmem>>) dst(%dma_wait3A_204 : memref<131328xf32, #tpu.memory_space<vmem_shared>>)
      tpu.yield
    }) : () -> ()
    %barrier3A_195 = arith.constant 0 : index
    tpu.barrier barrier_id(%barrier3A_195)
    %mul3A_196 = arith.constant 8208 : i32
    %mul3A_197 = arith.muli %arg1, %mul3A_196 : i32
    "tpu.region"() ({
      %run_scoped3A = tpu.sem_alloc : memref<!tpu.dma_semaphore, #tpu.memory_space<semaphore_mem>>
      %dma_start3A = arith.constant 0 : i32
      %dma_start3A_203 = tpu.memref_slice %arg7[%dma_start3A] : memref<8208xf32, #tpu.memory_space<vmem>> -> memref<8192xf32, #tpu.memory_space<vmem>>
      %dma_start3A_204 = tpu.memref_slice %arg8[%mul3A_197] : memref<131328xf32, #tpu.memory_space<vmem_shared>> -> memref<8192xf32, #tpu.memory_space<vmem_shared>>
      %dma_start3A_205 = arith.constant 0 : i32
      %dma_start3A_206 = tpu.memref_slice %arg7[%dma_start3A_205] : memref<8208xf32, #tpu.memory_space<vmem>> -> memref<8192xf32, #tpu.memory_space<vmem>>
      %dma_start3A_207 = tpu.memref_slice %arg8[%mul3A_197] : memref<131328xf32, #tpu.memory_space<vmem_shared>> -> memref<8192xf32, #tpu.memory_space<vmem_shared>>
      tpu.enqueue_dma source(%dma_start3A_207 : memref<8192xf32, #tpu.memory_space<vmem_shared>>) target(%dma_start3A_206 : memref<8192xf32, #tpu.memory_space<vmem>>) target_semaphore(%run_scoped3A : memref<!tpu.dma_semaphore, #tpu.memory_space<semaphore_mem>>)
      %dma_wait3A = arith.constant 0 : i32
      %dma_wait3A_208 = tpu.memref_slice %arg7[%dma_wait3A] : memref<8208xf32, #tpu.memory_space<vmem>> -> memref<8192xf32, #tpu.memory_space<vmem>>
      %dma_wait3A_209 = tpu.memref_slice %arg8[%mul3A_197] : memref<131328xf32, #tpu.memory_space<vmem_shared>> -> memref<8192xf32, #tpu.memory_space<vmem_shared>>
      %dma_wait3A_210 = arith.constant 0 : i32
      %dma_wait3A_211 = tpu.memref_slice %arg7[%dma_wait3A_210] : memref<8208xf32, #tpu.memory_space<vmem>> -> memref<8192xf32, #tpu.memory_space<vmem>>
      %dma_wait3A_212 = tpu.memref_slice %arg8[%mul3A_197] : memref<131328xf32, #tpu.memory_space<vmem_shared>> -> memref<8192xf32, #tpu.memory_space<vmem_shared>>
      tpu.wait_dma2 semaphore(%run_scoped3A : memref<!tpu.dma_semaphore, #tpu.memory_space<semaphore_mem>>) src(%dma_wait3A_212 : memref<8192xf32, #tpu.memory_space<vmem_shared>>) dst(%dma_wait3A_211 : memref<8192xf32, #tpu.memory_space<vmem>>)
      tpu.yield
    }) : () -> ()
    %mul3A_198 = arith.constant 16 : i32
    %mul3A_199 = arith.muli %arg0, %mul3A_198 : i32
    %add3A_200 = arith.addi %mul3A_199, %arg1 : i32
    %mul3A_201 = arith.constant 8192 : i32
    %mul3A_202 = arith.muli %add3A_200, %mul3A_201 : i32
    "tpu.region"() ({
      %run_scoped3A = tpu.sem_alloc : memref<!tpu.dma_semaphore, #tpu.memory_space<semaphore_mem>>
      %dma_start3A = arith.constant 0 : i32
      %dma_start3A_203 = tpu.memref_slice %arg7[%dma_start3A] : memref<8208xf32, #tpu.memory_space<vmem>> -> memref<8192xf32, #tpu.memory_space<vmem>>
      %dma_start3A_204 = tpu.memref_slice %arg3[%mul3A_202] : memref<262144xf32, #tpu.memory_space<hbm>> -> memref<8192xf32, #tpu.memory_space<hbm>>
      %dma_start3A_205 = tpu.memref_slice %arg3[%mul3A_202] : memref<262144xf32, #tpu.memory_space<hbm>> -> memref<8192xf32, #tpu.memory_space<hbm>>
      %dma_start3A_206 = arith.constant 0 : i32
      %dma_start3A_207 = tpu.memref_slice %arg7[%dma_start3A_206] : memref<8208xf32, #tpu.memory_space<vmem>> -> memref<8192xf32, #tpu.memory_space<vmem>>
      tpu.enqueue_dma source(%dma_start3A_207 : memref<8192xf32, #tpu.memory_space<vmem>>) target(%dma_start3A_205 : memref<8192xf32, #tpu.memory_space<hbm>>) target_semaphore(%run_scoped3A : memref<!tpu.dma_semaphore, #tpu.memory_space<semaphore_mem>>)
      %dma_wait3A = arith.constant 0 : i32
      %dma_wait3A_208 = tpu.memref_slice %arg7[%dma_wait3A] : memref<8208xf32, #tpu.memory_space<vmem>> -> memref<8192xf32, #tpu.memory_space<vmem>>
      %dma_wait3A_209 = tpu.memref_slice %arg3[%mul3A_202] : memref<262144xf32, #tpu.memory_space<hbm>> -> memref<8192xf32, #tpu.memory_space<hbm>>
      %dma_wait3A_210 = tpu.memref_slice %arg3[%mul3A_202] : memref<262144xf32, #tpu.memory_space<hbm>> -> memref<8192xf32, #tpu.memory_space<hbm>>
      %dma_wait3A_211 = arith.constant 0 : i32
      %dma_wait3A_212 = tpu.memref_slice %arg7[%dma_wait3A_211] : memref<8208xf32, #tpu.memory_space<vmem>> -> memref<8192xf32, #tpu.memory_space<vmem>>
      tpu.wait_dma2 semaphore(%run_scoped3A : memref<!tpu.dma_semaphore, #tpu.memory_space<semaphore_mem>>) src(%dma_wait3A_212 : memref<8192xf32, #tpu.memory_space<vmem>>) dst(%dma_wait3A_210 : memref<8192xf32, #tpu.memory_space<hbm>>)
      tpu.yield
    }) : () -> ()
    return
  }
}

module attributes {stable_mosaic.version = 14 : i64} {
  func.func @_codes_body(%arg0: i32, %arg1: memref<196x16x768xbf16, #tpu.memory_space<vmem>>, %arg2: memref<768x256xbf16, #tpu.memory_space<vmem>>, %arg3: memref<1024x256xf32, #tpu.memory_space<vmem>>, %arg4: memref<3136xi32, #tpu.memory_space<vmem>>, %arg5: memref<3136x256xbf16, #tpu.memory_space<vmem>>, %arg6: memref<3136xf32, #tpu.memory_space<vmem>>, %arg7: memref<3136xi32, #tpu.memory_space<vmem>>) attributes {dimension_semantics = [#tpu.dimension_semantics<arbitrary>], iteration_bounds = array<i64: 8>, scalar_prefetch = 0 : i64, scratch_operands = 3 : i64, tpu.core_type = #tpu.core_type<tc>, window_params = [{pipeline_mode = #tpu.pipeline_mode<synchronous>, transform_indices = @transform_0, window_bounds = array<i64: 196, 16, 768>}, {pipeline_mode = #tpu.pipeline_mode<synchronous>, transform_indices = @transform_1, window_bounds = array<i64: 768, 256>}, {transform_indices = @transform_2, window_bounds = array<i64: 1024, 256>}, {pipeline_mode = #tpu.pipeline_mode<synchronous>, transform_indices = @transform_3, window_bounds = array<i64: 3136>}]} {
    %eq3A = arith.constant 0 : i32
    %eq3A_0 = arith.cmpi eq, %arg0, %eq3A : i32
    %convert_element_type3A = arith.extui %eq3A_0 : i1 to i32
    %cond3A = arith.constant 0 : i32
    %cond3A_1 = arith.cmpi ne, %convert_element_type3A, %cond3A : i32
    scf.if %cond3A_1 {
      %get3A_39 = arith.constant 0 : index
      %get3A_40 = arith.constant 0 : index
      %get3A_41 = arith.constant 0 : index
      %get3A_42 = vector.load %arg1[%get3A_39, %get3A_40, %get3A_41] : memref<196x16x768xbf16, #tpu.memory_space<vmem>>, vector<196x16x768xbf16>
      %reshape3A = vector.shape_cast %get3A_42 : vector<196x16x768xbf16> to vector<3136x768xbf16>
      %get3A_43 = arith.constant 0 : index
      %get3A_44 = arith.constant 0 : index
      %get3A_45 = vector.load %arg2[%get3A_43, %get3A_44] : memref<768x256xbf16, #tpu.memory_space<vmem>>, vector<768x256xbf16>
      %dot_general3A_46 = arith.constant dense<0.000000e+00> : vector<3136x256xf32>
      %dot_general3A_47 = tpu.matmul %reshape3A, %get3A_45, %dot_general3A_46 {dimension_numbers = #tpu.dot_dimension_numbers<[1], [0], [0], [1], [0, 0, 1, 1], [], []>, transpose_lhs_hint = false} : vector<3136x768xbf16>, vector<768x256xbf16>, vector<3136x256xf32> -> vector<3136x256xf32>
      %convert_element_type3A_48 = arith.truncf %dot_general3A_47 : vector<3136x256xf32> to vector<3136x256xbf16>
      %swap3A_49 = arith.constant 0 : index
      %swap3A_50 = arith.constant 0 : index
      %swap3A_51 = vector.load %arg5[%swap3A_49, %swap3A_50] : memref<3136x256xbf16, #tpu.memory_space<vmem>>, vector<3136x256xbf16>
      tpu.vector_store %arg5[%swap3A_49, %swap3A_50], %convert_element_type3A_48 {strides = array<i32>} : memref<3136x256xbf16, #tpu.memory_space<vmem>>, vector<3136x256xbf16>,
      %broadcast_in_dim3A_52 = arith.constant 0xFF800000 : f32
      %broadcast_in_dim3A_53 = vector.broadcast %broadcast_in_dim3A_52 : f32 to vector<3136xf32>
      %swap3A_54 = arith.constant 0 : index
      %swap3A_55 = vector.load %arg6[%swap3A_54] : memref<3136xf32, #tpu.memory_space<vmem>>, vector<3136xf32>
      tpu.vector_store %arg6[%swap3A_54], %broadcast_in_dim3A_53 {strides = array<i32>} : memref<3136xf32, #tpu.memory_space<vmem>>, vector<3136xf32>,
      %broadcast_in_dim3A_56 = arith.constant 0 : i32
      %broadcast_in_dim3A_57 = vector.broadcast %broadcast_in_dim3A_56 : i32 to vector<3136xi32>
      %swap3A_58 = arith.constant 0 : index
      %swap3A_59 = vector.load %arg7[%swap3A_58] : memref<3136xi32, #tpu.memory_space<vmem>>, vector<3136xi32>
      tpu.vector_store %arg7[%swap3A_58], %broadcast_in_dim3A_57 {strides = array<i32>} : memref<3136xi32, #tpu.memory_space<vmem>>, vector<3136xi32>,
    } else {
    }
    %get3A = arith.constant 0 : index
    %get3A_2 = arith.constant 0 : index
    %get3A_3 = vector.load %arg3[%get3A, %get3A_2] : memref<1024x256xf32, #tpu.memory_space<vmem>>, vector<1024x256xf32>
    %mul3A = arith.mulf %get3A_3, %get3A_3 : vector<1024x256xf32>
    %reduce_sum3A = arith.constant dense<0.000000e+00> : vector<1024xf32>
    %reduce_sum3A_4 = vector.multi_reduction <add>, %mul3A, %reduce_sum3A [1] : vector<1024x256xf32> to vector<1024xf32>
    %get3A_5 = arith.constant 0 : index
    %get3A_6 = arith.constant 0 : index
    %get3A_7 = vector.load %arg5[%get3A_5, %get3A_6] : memref<3136x256xbf16, #tpu.memory_space<vmem>>, vector<3136x256xbf16>
    %convert_element_type3A_8 = arith.truncf %get3A_3 : vector<1024x256xf32> to vector<1024x256xbf16>
    %dot_general3A = arith.constant dense<0.000000e+00> : vector<3136x1024xf32>
    %dot_general3A_9 = tpu.matmul %get3A_7, %convert_element_type3A_8, %dot_general3A {dimension_numbers = #tpu.dot_dimension_numbers<[1], [1], [0], [0], [0, 0, 1, 0], [], []>, transpose_lhs_hint = false} : vector<3136x256xbf16>, vector<1024x256xbf16>, vector<3136x1024xf32> -> vector<3136x1024xf32>
    %broadcast_in_dim3A = vector.shape_cast %reduce_sum3A_4 : vector<1024xf32> to vector<1x1024xf32>
    %mul3A_10 = arith.constant 5.000000e-01 : f32
    %mul3A_11 = vector.broadcast %mul3A_10 : f32 to vector<1x1024xf32>
    %mul3A_12 = arith.mulf %mul3A_11, %broadcast_in_dim3A : vector<1x1024xf32>
    %sub3A = vector.broadcast %mul3A_12 : vector<1x1024xf32> to vector<3136x1024xf32>
    %sub3A_13 = arith.subf %dot_general3A_9, %sub3A : vector<3136x1024xf32>
    %reduce_max3A = arith.constant dense<0xFF800000> : vector<3136xf32>
    %reduce_max3A_14 = vector.multi_reduction <maximumf>, %sub3A_13, %reduce_max3A [1] : vector<3136x1024xf32> to vector<3136xf32>
    %iota3A = tpu.iota {dimensions = array<i32: 1>} : vector<3136x1024xi32>
    %broadcast_in_dim3A_15 = vector.shape_cast %reduce_max3A_14 : vector<3136xf32> to vector<3136x1xf32>
    %eq3A_16 = vector.broadcast %broadcast_in_dim3A_15 : vector<3136x1xf32> to vector<3136x1024xf32>
    %eq3A_17 = arith.cmpf oeq, %sub3A_13, %eq3A_16 : vector<3136x1024xf32>
    %jit3A = arith.constant 8192 : i32
    %broadcast_in_dim3A_18 = vector.broadcast %jit3A : i32 to vector<3136x1024xi32>
    %select_n3A = arith.select %eq3A_17, %iota3A, %broadcast_in_dim3A_18 : vector<3136x1024xi1>, vector<3136x1024xi32>
    %reduce_min3A = arith.constant dense<2147483647> : vector<3136xi32>
    %reduce_min3A_19 = vector.multi_reduction <minsi>, %select_n3A, %reduce_min3A [1] : vector<3136x1024xi32> to vector<3136xi32>
    %mul3A_20 = arith.constant 1024 : i32
    %mul3A_21 = arith.muli %arg0, %mul3A_20 : i32
    %add3A = vector.broadcast %mul3A_21 : i32 to vector<3136xi32>
    %add3A_22 = arith.addi %reduce_min3A_19, %add3A : vector<3136xi32>
    %get3A_23 = arith.constant 0 : index
    %get3A_24 = vector.load %arg6[%get3A_23] : memref<3136xf32, #tpu.memory_space<vmem>>, vector<3136xf32>
    %gt3A = arith.cmpf ogt, %reduce_max3A_14, %get3A_24 : vector<3136xf32>
    %get3A_25 = arith.constant 0 : index
    %get3A_26 = vector.load %arg6[%get3A_25] : memref<3136xf32, #tpu.memory_space<vmem>>, vector<3136xf32>
    %select_n3A_27 = arith.select %gt3A, %reduce_max3A_14, %get3A_26 : vector<3136xi1>, vector<3136xf32>
    %swap3A = arith.constant 0 : index
    %swap3A_28 = vector.load %arg6[%swap3A] : memref<3136xf32, #tpu.memory_space<vmem>>, vector<3136xf32>
    tpu.vector_store %arg6[%swap3A], %select_n3A_27 {strides = array<i32>} : memref<3136xf32, #tpu.memory_space<vmem>>, vector<3136xf32>,
    %get3A_29 = arith.constant 0 : index
    %get3A_30 = vector.load %arg7[%get3A_29] : memref<3136xi32, #tpu.memory_space<vmem>>, vector<3136xi32>
    %select_n3A_31 = arith.select %gt3A, %add3A_22, %get3A_30 : vector<3136xi1>, vector<3136xi32>
    %swap3A_32 = arith.constant 0 : index
    %swap3A_33 = vector.load %arg7[%swap3A_32] : memref<3136xi32, #tpu.memory_space<vmem>>, vector<3136xi32>
    tpu.vector_store %arg7[%swap3A_32], %select_n3A_31 {strides = array<i32>} : memref<3136xi32, #tpu.memory_space<vmem>>, vector<3136xi32>,
    %eq3A_34 = arith.constant 7 : i32
    %eq3A_35 = arith.cmpi eq, %arg0, %eq3A_34 : i32
    %convert_element_type3A_36 = arith.extui %eq3A_35 : i1 to i32
    %cond3A_37 = arith.constant 0 : i32
    %cond3A_38 = arith.cmpi ne, %convert_element_type3A_36, %cond3A_37 : i32
    scf.if %cond3A_38 {
      %get3A_39 = arith.constant 0 : index
      %get3A_40 = vector.load %arg7[%get3A_39] : memref<3136xi32, #tpu.memory_space<vmem>>, vector<3136xi32>
      %swap3A_41 = arith.constant 0 : index
      %swap3A_42 = vector.load %arg4[%swap3A_41] : memref<3136xi32, #tpu.memory_space<vmem>>, vector<3136xi32>
      tpu.vector_store %arg4[%swap3A_41], %get3A_40 {strides = array<i32>} : memref<3136xi32, #tpu.memory_space<vmem>>, vector<3136xi32>,
    } else {
    }
    return
  }
  func.func @transform_0(%arg0: i32) -> (i32, i32, i32) {
    %c0_i32 = arith.constant 0 : i32
    %c0_i32_0 = arith.constant 0 : i32
    %c0_i32_1 = arith.constant 0 : i32
    %c0_i32_2 = arith.constant 0 : i32
    return %c0_i32, %c0_i32_0, %c0_i32_1 : i32, i32, i32
  }
  func.func @transform_1(%arg0: i32) -> (i32, i32) {
    %c0_i32 = arith.constant 0 : i32
    %c0_i32_0 = arith.constant 0 : i32
    %c0_i32_1 = arith.constant 0 : i32
    return %c0_i32, %c0_i32_0 : i32, i32
  }
  func.func @transform_2(%arg0: i32) -> (i32, i32) {
    %c0_i32 = arith.constant 0 : i32
    %c0_i32_0 = arith.constant 0 : i32
    return %arg0, %c0_i32 : i32, i32
  }
  func.func @transform_3(%arg0: i32) -> i32 {
    %c0_i32 = arith.constant 0 : i32
    %c0_i32_0 = arith.constant 0 : i32
    return %c0_i32 : i32
  }
}

module attributes {stable_mosaic.version = 14 : i64} {
  func.func @_pred_body(%arg0: i32, %arg1: memref<2x16x1024xf32, #tpu.memory_space<vmem>>, %arg2: memref<1000x1024xf32, #tpu.memory_space<vmem>>, %arg3: memref<1x1000xf32, #tpu.memory_space<vmem>>, %arg4: memref<16x1000xf32, #tpu.memory_space<vmem>>, %arg5: memref<16x1000xf32, #tpu.memory_space<vmem>>) attributes {dimension_semantics = [#tpu.dimension_semantics<arbitrary>], iteration_bounds = array<i64: 8>, scalar_prefetch = 0 : i64, scratch_operands = 1 : i64, tpu.core_type = #tpu.core_type<tc>, window_params = [{transform_indices = @transform_0, window_bounds = array<i64: 2, 16, 1024>}, {transform_indices = @transform_1, window_bounds = array<i64: 1000, 1024>}, {pipeline_mode = #tpu.pipeline_mode<synchronous>, transform_indices = @transform_2, window_bounds = array<i64: 1, 1000>}, {pipeline_mode = #tpu.pipeline_mode<synchronous>, transform_indices = @transform_3, window_bounds = array<i64: 16, 1000>}]} {
    %eq3A = arith.constant 0 : i32
    %eq3A_0 = arith.cmpi eq, %arg0, %eq3A : i32
    %convert_element_type3A = arith.extui %eq3A_0 : i1 to i32
    %cond3A = arith.constant 0 : i32
    %cond3A_1 = arith.cmpi ne, %convert_element_type3A, %cond3A : i32
    scf.if %cond3A_1 {
      %broadcast_in_dim3A = arith.constant 0.000000e+00 : f32
      %broadcast_in_dim3A_26 = vector.broadcast %broadcast_in_dim3A : f32 to vector<16x1000xf32>
      %swap3A_27 = arith.constant 0 : index
      %swap3A_28 = arith.constant 0 : index
      %swap3A_29 = vector.load %arg5[%swap3A_27, %swap3A_28] : memref<16x1000xf32, #tpu.memory_space<vmem>>, vector<16x1000xf32>
      tpu.vector_store %arg5[%swap3A_27, %swap3A_28], %broadcast_in_dim3A_26 {strides = array<i32>} : memref<16x1000xf32, #tpu.memory_space<vmem>>, vector<16x1000xf32>,
    } else {
    }
    %get3A = arith.constant 0 : index
    %get3A_2 = arith.constant 0 : index
    %get3A_3 = arith.constant 0 : index
    %get3A_4 = vector.load %arg1[%get3A, %get3A_2, %get3A_3] : memref<2x16x1024xf32, #tpu.memory_space<vmem>>, vector<1x16x1024xf32>
    %get3A_5 = vector.shape_cast %get3A_4 : vector<1x16x1024xf32> to vector<16x1024xf32>
    %get3A_6 = arith.constant 1 : index
    %get3A_7 = arith.constant 0 : index
    %get3A_8 = arith.constant 0 : index
    %get3A_9 = vector.load %arg1[%get3A_6, %get3A_7, %get3A_8] : memref<2x16x1024xf32, #tpu.memory_space<vmem>>, vector<1x16x1024xf32>
    %get3A_10 = vector.shape_cast %get3A_9 : vector<1x16x1024xf32> to vector<16x1024xf32>
    %add3A = arith.addf %get3A_5, %get3A_10 : vector<16x1024xf32>
    %get3A_11 = arith.constant 0 : index
    %get3A_12 = arith.constant 0 : index
    %get3A_13 = vector.load %arg5[%get3A_11, %get3A_12] : memref<16x1000xf32, #tpu.memory_space<vmem>>, vector<16x1000xf32>
    %get3A_14 = arith.constant 0 : index
    %get3A_15 = arith.constant 0 : index
    %get3A_16 = vector.load %arg2[%get3A_14, %get3A_15] : memref<1000x1024xf32, #tpu.memory_space<vmem>>, vector<1000x1024xf32>
    %dot_general3A = arith.constant dense<0.000000e+00> : vector<16x1000xf32>
    %dot_general3A_17 = tpu.matmul %add3A, %get3A_16, %dot_general3A {dimension_numbers = #tpu.dot_dimension_numbers<[1], [1], [0], [0], [0, 0, 1, 0], [], []>, transpose_lhs_hint = false} : vector<16x1024xf32>, vector<1000x1024xf32>, vector<16x1000xf32> -> vector<16x1000xf32>
    %add3A_18 = arith.addf %get3A_13, %dot_general3A_17 : vector<16x1000xf32>
    %swap3A = arith.constant 0 : index
    %swap3A_19 = arith.constant 0 : index
    %swap3A_20 = vector.load %arg5[%swap3A, %swap3A_19] : memref<16x1000xf32, #tpu.memory_space<vmem>>, vector<16x1000xf32>
    tpu.vector_store %arg5[%swap3A, %swap3A_19], %add3A_18 {strides = array<i32>} : memref<16x1000xf32, #tpu.memory_space<vmem>>, vector<16x1000xf32>,
    %eq3A_21 = arith.constant 7 : i32
    %eq3A_22 = arith.cmpi eq, %arg0, %eq3A_21 : i32
    %convert_element_type3A_23 = arith.extui %eq3A_22 : i1 to i32
    %cond3A_24 = arith.constant 0 : i32
    %cond3A_25 = arith.cmpi ne, %convert_element_type3A_23, %cond3A_24 : i32
    scf.if %cond3A_25 {
      %get3A_26 = arith.constant 0 : index
      %get3A_27 = arith.constant 0 : index
      %get3A_28 = vector.load %arg5[%get3A_26, %get3A_27] : memref<16x1000xf32, #tpu.memory_space<vmem>>, vector<16x1000xf32>
      %get3A_29 = arith.constant 0 : index
      %get3A_30 = arith.constant 0 : index
      %get3A_31 = vector.load %arg3[%get3A_29, %get3A_30] : memref<1x1000xf32, #tpu.memory_space<vmem>>, vector<1x1000xf32>
      %add3A_32 = vector.broadcast %get3A_31 : vector<1x1000xf32> to vector<16x1000xf32>
      %add3A_33 = arith.addf %get3A_28, %add3A_32 : vector<16x1000xf32>
      %swap3A_34 = arith.constant 0 : index
      %swap3A_35 = arith.constant 0 : index
      %swap3A_36 = vector.load %arg4[%swap3A_34, %swap3A_35] : memref<16x1000xf32, #tpu.memory_space<vmem>>, vector<16x1000xf32>
      tpu.vector_store %arg4[%swap3A_34, %swap3A_35], %add3A_33 {strides = array<i32>} : memref<16x1000xf32, #tpu.memory_space<vmem>>, vector<16x1000xf32>,
    } else {
    }
    return
  }
  func.func @transform_0(%arg0: i32) -> (i32, i32, i32) {
    %c0_i32 = arith.constant 0 : i32
    %c0_i32_0 = arith.constant 0 : i32
    %c0_i32_1 = arith.constant 0 : i32
    return %c0_i32, %c0_i32_0, %arg0 : i32, i32, i32
  }
  func.func @transform_1(%arg0: i32) -> (i32, i32) {
    %c0_i32 = arith.constant 0 : i32
    %c0_i32_0 = arith.constant 0 : i32
    return %c0_i32, %arg0 : i32, i32
  }
  func.func @transform_2(%arg0: i32) -> (i32, i32) {
    %c0_i32 = arith.constant 0 : i32
    %c0_i32_0 = arith.constant 0 : i32
    %c0_i32_1 = arith.constant 0 : i32
    return %c0_i32, %c0_i32_0 : i32, i32
  }
  func.func @transform_3(%arg0: i32) -> (i32, i32) {
    %c0_i32 = arith.constant 0 : i32
    %c0_i32_0 = arith.constant 0 : i32
    %c0_i32_1 = arith.constant 0 : i32
    return %c0_i32, %c0_i32_0 : i32, i32
  }
}

</mosaic_0001>

<sc_bundles>
// kernel: kernel.5.cloned.1.call-start
scs
__scs_entry_jumppad:
0x0: {  	(pc) =	sbr.rel $0x88, $3  }
0x1: {  	(tag) =	ssettag $0x0;
	lr =	simm.s32 $0x1  }
0x2: {  	[smem:$0x3F9C] =	sst lr;
	_ =	strace $0xD0000000  }
0x3: {  	_ = 	snop  }
0x4: {  	_ = 	snop  }
0x5: {  	_ = 	snop  }
0x6: {  	_ = 	snop  }
0x7: {  	_ = 	snop  }
__scs_overlays_trampoline_lowered:
0x8: {  	[smem:$0x3FAB] =	sst s0  }
0x9: {  	[smem:$0x3FAC] =	sst s1  }
0xa: {  	[smem:$0x3FAD] =	sst s2  }
0xb: {  	[smem:$0x3FAE] =	sst s3  }
0xc: {  	[smem:$0x3FAF] =	sst s4  }
0xd: {  	[smem:$0x3FB0] =	sst s5  }
0xe: {  	[smem:$0x3FB1] =	sst s6  }
0xf: {  	[smem:$0x3FB2] =	sst s7  }
0x10: {  	[smem:$0x3FB3] =	sst s8  }
0x11: {  	[smem:$0x3FB4] =	sst s9;
	s0 =	simm.s32 @!p0 $0x0  }
0x12: {  	s1 =	sld [smem:$0x3F9A];
	s0 =	simm.s32 @p0 $0x1  }
0x13: {  	[smem:$0x3FB5] =	sst s0;
	s0 =	simm.s32 @!p1 $0x0  }
0x14: {  	s2 =	sld [smem:$0x3F99];
	s0 =	simm.s32 @p1 $0x1  }
0x15: {  	[smem:$0x3FB6] =	sst s0;
	s0 =	simm.s32 @!p2 $0x0  }
0x16: {  	s3 =	sld [smem:$0x3FDB];
	s0 =	simm.s32 @p2 $0x1  }
0x17: {  	s4 =	simm.s32 $0x1BF5;
	[smem:$0x3FB8] =	sst s0  }
0x18: {  	s0 =	sld [smem:$0x3F9B];
	_ =	swait.ge [sflag:s4], $0x0  }
0x19: {  	s7 =	sld [smem:$0x3F9C]  }
0x1a: {  	s8 =	sadd.s32 $0xFFFFE003, lr  }
0x1b: {  	s9 =	sadd.s32 $0xFFFFFEF7, lr;
	s5 =	simm.s32 $0xFFFFFFFF;
	p2 =	slt.u32 s8, $0xFFFFF086  }
0x1c: {  	p1 =	slt.u32 s9, $0xF7A;
	s5 =	simm.s32 @!p2 $0x0  }
0x1d: {  	s5 =	simm.s32 @p1 $0x1;
	p0 =	seq.s32 s7, s2  }
0x1e: {  	s7 =	smul.u32 @!p0 $0xF7A, s2;
	p2 =	seq.s32 @!p0 s5, $0x0  }
0x1f: {  	s9 =	smul.u32 $0xF7A, s1;
	s8 =	simm.s32 @!p0 $0x1BF5;
	p2 =	por !p2, p0  }
0x20: {  	[sflag:s8] =	ssyncset.s32 @!p0 $0xFFFFF086;
	s6 =	sadd.s32 @!p0 s3, s7;
	s7 =	simm.s32 @!p0 $0x108  }
0x21: {  	s3 =	sadd.s32 s3, s9;
	s6 =	sadd.s32 @!p0 $0x88, s6;
	s7 =	simm.s32 @p2 $0x1082  }
0x22: {  	[simem:s7], [sflag:s8] =	dma.local @!p0 [hbm:s6], $0xF7A  }
0x23: {  	s9 =	sor.u32 $0xD0000000, s2;
	s6 =	simm.s32 $0x108;
	_ =	swait.ge @!p0 [sflag:s8], $0x0  }
0x24: {  	s3 =	sadd.s32 $0x88, s3;
	s6 =	simm.s32 @!p1 $0x1082;
	[sflag:s4] =	ssyncset.s32 $0xFFFFF086  }
0x25: {  	[simem:s6], [sflag:s4] =	dma.local [hbm:s3], $0xF7A  }
0x26: {  	[smem:$0x3F9C] =	sst s1;
	(tag) =	ssettag s2;
	_ =	strace s9  }
0x27: {  	s1 =	sld [smem:$0x3FAC]  }
0x28: {  	s2 =	sld [smem:$0x3FAD]  }
0x29: {  	s4 =	sld [smem:$0x3FAF]  }
0x2a: {  	p0 =	seq.s32 s5, $0x0;
	s5 =	sld [smem:$0x3FB0]  }
0x2b: {  	s6 =	sld [smem:$0x3FB1]  }
0x2c: {  	s7 =	sld [smem:$0x3FB2]  }
0x2d: {  	s3 =	simm.s32 $0x108;
	s8 =	sld [smem:$0x3FB3]  }
0x2e: {  	s3 =	simm.s32 @!p0 $0x1082;
	s9 =	sld [smem:$0x3FB4]  }
0x2f: {  	lr =	sadd.s32 s0, s3;
	s0 =	sld [smem:$0x3FAB]  }
0x30: {  	s3 =	sld [smem:$0x3FAE]  }
0x31: {  	[smem:$0x3FB7] =	sst s10  }
0x32: {  	s10 =	sld [smem:$0x3FB5];
	_ =	sdelay $0x3  }
0x33: {  	p0 =	seq.s32 s10, $0x1;
	s10 =	sld [smem:$0x3FB7];
	_ =	sdelay $0x3  }
0x34: {  	[smem:$0x3FB7] =	sst s10  }
0x35: {  	s10 =	sld [smem:$0x3FB6];
	_ =	sdelay $0x3  }
0x36: {  	p1 =	seq.s32 s10, $0x1;
	s10 =	sld [smem:$0x3FB7];
	_ =	sdelay $0x3  }
0x37: {  	[smem:$0x3FB7] =	sst s10  }
0x38: {  	s10 =	sld [smem:$0x3FB8]  }
0x39: {  	_ = 	snop;
	(pc) =	sbr.ind lr, $3  }
0x3a: {  	_ = 	snop  }
0x3b: {  	_ = 	snop  }
0x3c: {  	p2 =	seq.s32 s10, $0x1;
	s10 =	sld [smem:$0x3FB7]  }
0x3d: {  	_ =	shalt  }
0x3e: {  	_ =	shalt  }
0x3f: {  	_ =	shalt  }
0x40: {  	_ =	shalt  }
0x41: {  	_ =	shalt  }
0x42: {  	_ =	shalt  }
0x43: {  	_ =	shalt  }
0x44: {  	_ =	shalt  }
0x45: {  	_ =	shalt  }
0x46: {  	_ =	shalt  }
0x47: {  	_ =	shalt  }
0x48: {  	_ =	shalt  }
0x49: {  	_ =	shalt  }
0x4a: {  	_ =	shalt  }
0x4b: {  	_ =	shalt  }
0x4c: {  	_ =	shalt  }
0x4d: {  	_ =	shalt  }
0x4e: {  	_ =	shalt  }
0x4f: {  	_ =	shalt  }
0x50: {  	_ =	shalt  }
0x51: {  	_ =	shalt  }
0x52: {  	_ =	shalt  }
0x53: {  	_ =	shalt  }
0x54: {  	_ =	shalt  }
0x55: {  	_ =	shalt  }
0x56: {  	_ =	shalt  }
0x57: {  	_ =	shalt  }
0x58: {  	_ =	shalt  }
0x59: {  	_ =	shalt  }
0x5a: {  	_ =	shalt  }
0x5b: {  	_ =	shalt  }
0x5c: {  	_ =	shalt  }
0x5d: {  	_ =	shalt  }
0x5e: {  	_ =	shalt  }
0x5f: {  	_ =	shalt  }
0x60: {  	_ =	shalt  }
0x61: {  	_ =	shalt  }
0x62: {  	_ =	shalt  }
0x63: {  	_ =	shalt  }
0x64: {  	_ =	shalt  }
0x65: {  	_ =	shalt  }
0x66: {  	_ =	shalt  }
0x67: {  	_ =	shalt  }
0x68: {  	_ =	shalt  }
0x69: {  	_ =	shalt  }
0x6a: {  	_ =	shalt  }
0x6b: {  	_ =	shalt  }
0x6c: {  	_ =	shalt  }
0x6d: {  	_ =	shalt  }
0x6e: {  	_ =	shalt  }
0x6f: {  	_ =	shalt  }
0x70: {  	_ =	shalt  }
0x71: {  	_ =	shalt  }
0x72: {  	_ =	shalt  }
0x73: {  	_ =	shalt  }
0x74: {  	_ =	shalt  }
0x75: {  	_ =	shalt  }
0x76: {  	_ =	shalt  }
0x77: {  	_ =	shalt  }
0x78: {  	_ =	shalt  }
0x79: {  	_ =	shalt  }
0x7a: {  	_ =	shalt  }
0x7b: {  	_ =	shalt  }
0x7c: {  	_ =	shalt  }
0x7d: {  	_ =	shalt  }
0x7e: {  	_ =	shalt  }
0x7f: {  	_ =	shalt  }
0x80: {  	_ =	shalt  }
0x81: {  	_ =	shalt  }
0x82: {  	_ =	shalt  }
0x83: {  	_ =	shalt  }
0x84: {  	_ =	shalt  }
0x85: {  	_ =	shalt  }
0x86: {  	_ =	shalt  }
0x87: {  	_ =	shalt  }
.Lfunc_end0:
.L_simem_size_0:
called_computation_lowered:
.L_overlay_start_0:
0x88: {  	s2 =	sld [smem:$0x3FD9]  }
0x89: {  	s3 =	sld [smem:$0x3FFE];
	_ =	sdelay $0x1  }
0x8a: {  	s1 =	srdreg.scid  }
0x8b: {  	s0 =	sand.u32 $0x1, s1  }
0x8c: {  	s14 =	sshll.u32 s0, $0xA;
	s2 =	sadd.s32 s3, s2  }
0x8d: {  	s2 =	sadd.s32 s2, s14  }
0x8e: {  	[smem:$0x3FC3] =	sst s2  }
0x8f: {  	_ = 	snop  }
0x90: {  	s2 =	sld [smem:$0x3FD0];
	_ =	sdelay $0x2  }
0x91: {  	s15 =	simm.s32 $0xA;
	s4 =	simm.s32 $0x10  }
0x92: {  	[smem:s4], [sflag:s15] =	dma.local [hbm:s2], $0x1  }
0x93: {  	_ =	swait.eq [sflag:s15], $0x1  }
0x94: {  	[sflag:s15] =	ssyncset.done $0x0  }
0x95: {  	[sflag:s15] =	ssyncadd.s32 $0xFFFFFFFF  }
0x96: {  	s16 =	sld [smem:$0x10];
	(tm) =	ssettm $0x1  }
0x97: {  	s17 =	sld [smem:$0x3FFB];
	_ =	sdelay $0x3  }
0x98: {  	_ =	strace s17  }
0x99: {  	s3 =	sld [smem:$0x3FFC];
	_ =	sdelay $0x3  }
0x9a: {  	_ =	strace s3  }
0x9b: {  	s3 =	sld [smem:$0x3FFD];
	_ =	sdelay $0x3  }
0x9c: {  	_ =	strace s3  }
0x9d: {  	_ =	strace $0x8FFFFFFF  }
0x9e: {  	s18 =	sld [smem:$0x3FDB];
	_ =	sdelay $0x1  }
0x9f: {  	s19 =	simm.s32 $_scs_section_size  }
0xa0: {  	s5 =	simm.s32 $_size__tile_overlayer_lowered;
	s6 =	simm.s32 $_tile_overlayer_lowered  }
0xa1: {  	s22 =	simm.s32 $0x1BFF;
	s21 =	sshll.u32 s6, $0x1;
	s3 =	sadd.s32 s19, s18  }
0xa2: {  	s7 =	simm.s32 $0x0;
	s20 =	sshll.u32 s5, $0x1;
	s5 =	sadd.s32 s21, s3  }
0xa3: {  	[timem:s7], [sflag:s22] =	dma.local [hbm:s5], s20  }
0xa4: {  	_ =	swait.ge [sflag:s22], s20  }
0xa5: {  	s4 =	ssub.s32 $0x0, s20;
	[sflag:s22] =	ssyncset.done $0x0  }
0xa6: {  	[sflag:s22] =	ssyncadd.s32 s4;
	_ =	sdelay $0x1  }
0xa7: {  	s23 =	simm.s32 $0x1B8B  }
0xa8: {  	_ =	swait.ge [sflag:s23], $0x1  }
0xa9: {  	[sflag:s23] =	ssyncset.done $0x0  }
0xaa: {  	s25 =	simm.s32 $0x1B8E;
	s24 =	sld [smem:$0x3FFE];
	[sflag:s23] =	ssyncadd.s32 $0xFFFFFFFF  }
0xab: {  	s26 =	simm.s32 $execute0_lowered;
	[smem:$0x3FD2] =	sst s25  }
0xac: {  	s5 =	sshll.u32 s26, $0x1;
	_ =	strace $0x80000046;
	[dreg:$0x1] =	wrdreg $0xFFFFFFFF  }
0xad: {  	s28 =	simm.s32 $_size_execute0_lowered;
	s3 =	sadd.s32 s3, s5;
	[dreg:$0x0] =	wrdreg $0x0  }
0xae: {  	s5 =	sshll.u32 s28, $0x1;
	[dreg:$0x2] =	wrdreg s3  }
0xaf: {  	[dreg:$0x3] =	wrdreg s5  }
0xb0: {  	[dreg:$0x4] =	wrdreg $0xC0  }
0xb1: {  	_ =	task [dreg:s7], $0x5FFFF  }
0xb2: {  	[dreg:$0x1] =	wrdreg $0xFFFFFFFF  }
0xb3: {  	[dreg:$0x0] =	wrdreg $0x60  }
0xb4: {  	[dreg:$0x2] =	wrdreg s16  }
0xb5: {  	[dreg:$0x3] =	wrdreg s24  }
0xb6: {  	[dreg:$0x4] =	wrdreg $0x22000  }
0xb7: {  	[dreg:$0x5] =	wrdreg $0x9  }
0xb8: {  	_ =	task.clear_ibuf [dreg:s7], $0x6FFFF;
	_ =	strace $0x90000046  }
0xb9: {  	s29 =	simm.s32 $0x9;
	_ =	strace $0x80000048  }
0xba: {  	_ =	swait.ge [sflag:s29], $0x1  }
0xbb: {  	[sflag:s29] =	ssyncadd.s32 $0xFFFFFFFF  }
0xbc: {  	_ =	strace $0x90000048  }
0xbd: {  	_ =	sfence  }
0xbe: {  	s30 =	sld [smem:$0x0];
	_ =	sdelay $0x2  }
0xbf: {  	s31 =	sshll.u32 s1, $0xD;
	s1 =	sshrl.u32 s1, $0x2  }
0xc0: {  	s3 =	sand.u32 $0x4000, s31;
	s1 =	sadd.s32 s1, s30  }
0xc1: {  	s0 =	sor.u32 s3, s0;
	s1 =	sshll.u32 s1, $0x11  }
0xc2: {  	s0 =	sor.u32 s1, s0  }
0xc3: {  	s0 =	sadd.s32 $0x8F2B, s0  }
0xc4: {  	[sflag:s0] =	ssyncadd.remote.s32 $0x1  }
0xc5: {  	_ =	sfence.sel $0xFFFF  }
0xc6: {  	[dreg:$0x0] =	wrdreg $0xFFFFFFFF;
	(pc) =	sbr.abs _section_cstart, $3  }
0xc7: {  	[dreg:$0x1] =	wrdreg $0xFFFFFFFF  }
0xc8: {  	_ =	task.clear_ibuf [dreg:s7], $0x2FFFF;
	_ =	strace $0x9FFFFFFF  }
0xc9: {  	(tm) =	ssettm $0x7FFFFFFF  }
tec
execute0_lowered:
.L_overlay_start_1:
0x0: {  	(tag) =	ssettag $0x1  }
0x1: {  	s4 =	rddreg [dreg:$0x0]  }
0x2: {  	s5 =	rddreg [dreg:$0x1]  }
0x3: {  	s0 =	srdreg.scid;
	s2 =	rddreg [dreg:$0x2]  }
0x4: {  	s1 =	stileid.u32;
	s3 =	simm.s32 $0x0;
	s6 =	sand.u32 $0x1, s0  }
0x5: {  	s11 =	simm.s32 $0x80;
	s12 =	simm.s32 $0x100;
	s7 =	sshll.u32 s6, $0x4  }
0x6: {  	s0 =	rddreg [dreg:$0x3];
	s28 =	smul.u32 $0x8040, s1;
	s8 =	sor.u32 s1, s7  }
0x7: {  	s13 =	simm.s32 $0x0;
	[smem:$0x7FF] =	sst s3;
	s7 =	smul.u32 $0x7, s8  }
0x8: {  	_ =	strace $0x80000047;
	s29 =	ssub.s32 $0x2, s6;
	s9 =	smul.u32 $0x6, s8  }
0x9: {  	p0 =	sgt.u32 s8, $0x1B;
	s10 =	sshll.u32 s8, $0xA;
	s7 =	sadd.s32 $0xFFFFFE4, s7  }
0xa: {  	s31 =	sshrl.u32 s29, $0x1;
	s10 =	sadd.s32 s10, s5;
	s9 =	smov.u32 @p0 s7  }
0xb: {  	v0 =	vlaneseq.u32;
	s7 =	sshrl.u32 s28, $0x2;
	p0 =	slt.u32 s8, $0x1C;
	s8 =	simm.s32 $0x1  }
0xc: {  	v0 =	vmul.u32 $0x2010, v0;
	s30 =	sshll.u32 s9, $0x1;
	s9 =	ssub.s32 s29, s31;
	s5 =	sadd.s32 s7, s2  }
0xd: {  	s6 =	sand.u32 $0x1FFFFFFE, s30;
	s7 =	smax.u32 s9, $0x1;
	s9 =	simm.s32 $0x180  }
0xe: {  	v2 =	vimm.f32 $1.000000000e+00;
	v3 =	vimm.f32 $0.0e+00;
	v1 =	vadd.s32 $0x2000, v0;
	s4 =	sadd.s32 s4, s6;
	s6 =	sadd.s32 $0x1200, s10;
	s10 =	simm.s32 $0x70  }
.LBB2_1:
0xf: {  	[tilespmem:s3], [sflag:$0x1] =	stream.linear.gather [hbm4b:s4+s3], $0x70, $0x38;
	[tilespmem:$0x4210] =	vst v63  }
0x10: {  	_ =	swait.ge [sflag:s8], $0x70  }
0x11: {  	[sflag:s8] =	ssyncset.done $0x0  }
0x12: {  	[sflag:s8] =	ssyncadd.s32 $0xFFFFFF90  }
0x13: {  	v4 =	vld [tilespmem:$0x0];
	_ =	sdelay $0x1  }
0x14: {  	v5 =	vld [tilespmem:$0x10];
	_ =	sdelay $0x1  }
0x15: {  	[tilespmem:$0x80] =	vst v1  }
0x16: {  	[tilespmem:$0x100] =	vst v2;
	v4 =	vadd.s32 v0, v4  }
0x17: {  	[tilespmem:$0x80] =	vst v4;
	v4 =	vld [tilespmem:$0x20]  }
0x18: {  	[tilespmem:$0x90] =	vst v1;
	v5 =	vadd.s32 v0, v5  }
0x19: {  	[tilespmem:$0x90] =	vst v5;
	v5 =	vld [tilespmem:$0x30]  }
0x1a: {  	[tilespmem:$0x110] =	vst v2  }
0x1b: {  	[tilespmem:$0xA0] =	vst v1  }
0x1c: {  	[tilespmem:$0x120] =	vst v2;
	v4 =	vadd.s32 v0, v4  }
0x1d: {  	[tilespmem:$0xA0] =	vst v4;
	v4 =	vld [tilespmem:$0x40]  }
0x1e: {  	[tilespmem:$0xB0] =	vst v1;
	v5 =	vadd.s32 v0, v5  }
0x1f: {  	[tilespmem:$0xB0] =	vst v5;
	v5 =	vld [tilespmem:$0x50]  }
0x20: {  	[tilespmem:$0x130] =	vst v2  }
0x21: {  	[tilespmem:$0xC0] =	vst v1  }
0x22: {  	[tilespmem:$0x140] =	vst v2;
	v4 =	vadd.s32 v0, v4  }
0x23: {  	[tilespmem:$0xC0] =	vst v4;
	v4 =	vld @!p0 [tilespmem:$0x60]  }
0x24: {  	[tilespmem:$0xD0] =	vst v1;
	v5 =	vadd.s32 v0, v5  }
0x25: {  	[tilespmem:$0xD0] =	vst v5;
	v5 =	vlaneseq.u32 @!p0  }
0x26: {  	[tilespmem:$0x150] =	vst v2;
	v5 =	vmul.u32 @!p0 $0x2010, v5  }
0x27: {  	[tilespmem:$0xE0] =	vst v1  }
0x28: {  	[tilespmem:$0x160] =	vst v2;
	v4 =	vadd.s32 @!p0 v5, v4  }
0x29: {  	s14 =	simm.s32 $0x40;
	s15 =	simm.s32 $0x0;
	[tilespmem:$0xE0] =	vst @!p0 v4  }
.LBB2_2:
0x2a: {  	p1 =	sne.s32 s14, $0x8000;
	[tilespmem:s15+$0x180] =	vst v3;
	s15 =	smov.u32 s14;
	s14 =	sadd.s32 $0x40, s14  }
.Ltmp0:
0x2b: {  	(pc) =	sbr.rel @p1 .LBB2_2-.Ltmp0, $2  }
0x2c: {  	_ =	sdelay $0x2  }
0x2d: {  	s15 =	sshra.s32 s15, $0x2  }
0x2e: {  	[tilespmem:s15+$0x180] =	vst v3  }
0x2f: {  	[spmem:s5] =	stream.linear.scatter [tilespmem:s9], [sflag:$0x1], $0x2010, $0x38;
	[tilespmem:$0x4210] =	vst v63  }
0x30: {  	_ =	swait.ge [sflag:s8], $0x2010  }
0x31: {  	[sflag:s8] =	ssyncset.done $0x0  }
0x32: {  	[sflag:s8] =	ssyncadd.s32 $0xFFFFDFF0  }
0x33: {  	[bflag:$0x0] =	sbarrier.arrive $0xFFFF  }
0x34: {  	[spmem:s2] =	stream.indirect.scatter.add.f32 [tilespmem:s12], [sflag:$0x1], $0x1, s11, s10, $0xb8;
	[tilespmem:$0x4210] =	vst v63  }
0x35: {  	_ =	swait.ge [sflag:s8], $0x70  }
0x36: {  	[sflag:s8] =	ssyncset.done $0x0  }
0x37: {  	[sflag:s8] =	ssyncadd.s32 $0xFFFFFF90  }
0x38: {  	[bflag:$0x0] =	sbarrier.arrive $0xFFFF  }
0x39: {  	[tilespmem:s9], [sflag:$0x1] =	stream.linear.gather [spmem:s5], $0x2000, $0x38;
	[tilespmem:$0x4210] =	vst v63  }
0x3a: {  	s13 =	sadd.s32 $0x1, s13;
	_ =	swait.ge [sflag:s8], $0x2000  }
0x3b: {  	p1 =	sne.s32 s13, s7;
	[sflag:s8] =	ssyncset.done $0x0  }
.Ltmp1:
0x3c: {  	[sflag:s8] =	ssyncadd.s32 $0xFFFFE000;
	(pc) =	sbr.rel @p1 .LBB2_1-.Ltmp1, $4  }
0x3d: {  	[hbm4b:s6+s3] =	stream.linear.scatter [tilespmem:s9], [sflag:$0x1], $0x2000, $0x38;
	[tilespmem:$0x4210] =	vst v63  }
0x3e: {  	_ =	swait.ge [sflag:s8], $0x2000  }
0x3f: {  	[sflag:s8] =	ssyncset.done $0x0  }
0x40: {  	[sflag:s8] =	ssyncadd.s32 $0xFFFFE000  }
0x41: {  	_ =	sfence.sel $0x180000  }
0x42: {  	[bflag:$0x0] =	sbarrier.arrive $0xFFFF  }
0x43: {  	p0 =	sne.s32 s1, $0x0;
	_ =	strace $0x90000047  }
0x44: {  	s0 =	sadd.s32 @!p0 $0x100000, s0;
	[bflag:$0x2] =	sbarrier.arrive $0xFFFF  }
0x45: {  	[sflag:s0] =	ssyncadd.tile.s32 @!p0 $0x1;
	_ =	shalt  }
.Lfunc_end2:
_tile_overlayer_lowered:
.L_overlay_start_2:
0x46: {  	(tag) =	ssettag $0x2  }
0x47: {  	s0 =	rddreg [dreg:$0x0];
	s2 =	stileid.u32  }
0x48: {  	s1 =	rddreg [dreg:$0x1];
	p0 =	sne.s32 s2, $0x0  }
0x49: {  	s3 =	rddreg [dreg:$0x2];
	[bflag:$0x3] =	sbarrier.arrive $0xFFFF;
	s2 =	simm.s32 @!p0 $0x1C01  }
0x4a: {  	[timem:s3], [sflag:s2] =	dma.local @!p0 [hbm:s0], s1  }
0x4b: {  	s0 =	simm.s32 @!p0 $0x1  }
0x4c: {  	_ =	swait.ge @!p0 [sflag:s0], s1  }
0x4d: {  	s1 =	ssub.s32 @!p0 $0x0, s1;
	[sflag:s0] =	ssyncset.done @!p0 $0x0  }
0x4e: {  	[sflag:s0] =	ssyncadd.s32 @!p0 s1  }
0x4f: {  	[bflag:$0x3] =	sbarrier.arrive $0xFFFF  }
0x50: {  	_ =	shalt  }

</sc_bundles>
